<compile_context>
chip_gen: v7x
topology: tpu7x:2x2x1
jax: 0.10.2.dev20260603
libtpu: 0.0.44.dev20260713+nightly
codegen_flags: <defaults>
</compile_context>

<pallas_src>
import jax
import jax.numpy as jnp
from jax import lax
from jax.experimental import pallas as pl
from jax.experimental.pallas import tpu as pltpu
from jax.experimental.pallas import tpu_sc as plsc

VOCAB = 100000
EMB = 128
BATCH = 4096
SEQ = 200

_NC = 2
_NS = 16
_NW = _NC * _NS
_TOTAL = BATCH * SEQ
_PER_W = _TOTAL // _NW
_GRP = 128
_NGRP = _PER_W // _GRP
_NBUF = 3
_SLAB = 2 * _GRP
_NSTEP = _PER_W // _SLAB


def _emb_kernel(x_hbm, table_hbm, out_hbm, idx_v, *rest):
    bufs = rest[:_NBUF]
    gsems = rest[_NBUF:2 * _NBUF]
    osems = rest[2 * _NBUF:3 * _NBUF]
    wid = lax.axis_index("s") * _NC + lax.axis_index("c")
    base = wid * _PER_W

    pltpu.sync_copy(x_hbm.at[wid], idx_v)

    def gathers(s, b, start):
        for h in range(2):
            cp = pltpu.make_async_copy(
                table_hbm.at[idx_v.at[2 * s + h]],
                bufs[b].at[pl.ds(h * _GRP, _GRP)], gsems[b])
            cp.start() if start else cp.wait()

    def out(s, b, start):
        cp = pltpu.make_async_copy(
            bufs[b], out_hbm.at[pl.ds(base + s * _SLAB, _SLAB)], osems[b])
        cp.start() if start else cp.wait()

    for b in range(_NBUF):
        gathers(b, b, True)

    def body(p, carry):
        s0 = p * _NBUF
        for b in range(_NBUF):
            gathers(s0 + b, b, False)
            out(s0 + b, b, True)
        for b in range(_NBUF):
            s_next = s0 + _NBUF + b

            @pl.when(s_next < _NSTEP)
            def _(b=b, s_next=s_next):
                out(s_next - _NBUF, b, False)
                gathers(s_next, b, True)
        return carry

    lax.fori_loop(0, _NSTEP // _NBUF, body, 0)
    gathers(_NSTEP - 1, 0, False)
    out(_NSTEP - 1, 0, True)
    out(_NSTEP - 3, 1, False)
    out(_NSTEP - 2, 2, False)
    out(_NSTEP - 1, 0, False)


def _mask_kernel(x_ref, o_ref):
    o_ref[...] = jnp.where(x_ref[...] != 0,
                           jnp.float32(1.0), jnp.float32(0.0))


@jax.jit
def kernel(x, table):
    x32 = x.astype(jnp.int32)
    xw = x32.reshape(_NW, _NGRP, _GRP)
    mesh = plsc.VectorSubcoreMesh(core_axis_name="c", subcore_axis_name="s")
    out = pl.kernel(
        _emb_kernel,
        mesh=mesh,
        out_type=jax.ShapeDtypeStruct((_TOTAL, EMB), jnp.float32),
        scratch_types=[
            pltpu.VMEM((_NGRP, _GRP), jnp.int32),
            *[pltpu.VMEM((_SLAB, EMB), jnp.float32) for _ in range(_NBUF)],
            *[pltpu.SemaphoreType.DMA for _ in range(2 * _NBUF)],
        ],
    )(xw, table)
    mask = pl.pallas_call(
        _mask_kernel,
        out_shape=jax.ShapeDtypeStruct((BATCH, SEQ), jnp.float32),
        grid=(8,),
        in_specs=[pl.BlockSpec((BATCH // 8, SEQ), lambda i: (i, 0))],
        out_specs=pl.BlockSpec((BATCH // 8, SEQ), lambda i: (i, 0)),
    )(x32)
    return out.reshape(BATCH, SEQ, EMB), mask

# --- scband reference (transcript-rebuilt; emitter-appended) ---
"""Pipeline reference for scband-embedding-70652212019559 (READ-ONLY COPY).

The authoritative reference and input builder live on the scoring server;
editing this copy changes nothing except your own understanding.
"""

import jax, jax.numpy as jnp
import numpy as np

VOCAB = 100000
EMB = 128
BATCH = 4096
SEQ = 200

def setup_inputs(seed: int = 0) -> dict:
    key = jax.random.key(seed)
    k1, k2 = jax.random.split(key)
    x = jax.random.randint(k1, (BATCH, SEQ), 0, VOCAB, dtype=jnp.int64 if jax.config.jax_enable_x64 else jnp.int32)
    table = jax.random.normal(k2, (VOCAB, EMB), dtype=jnp.float32)
    # torch.nn.Embedding(padding_idx=0) initializes the padding row to zeros
    table = table.at[0].set(0.0)
    return {"x": x, "table": table}

def reference(x, table):
    # embeddings: batch x seq x emb (gather from table)
    embeddings = jnp.take(table, x, axis=0)
    # mask: batch x seq, 1.0 where token != 0 (post-padded by 0s)
    mask = jnp.not_equal(x, 0).astype(jnp.float32)
    return (embeddings, mask)

if __name__ == "__main__":
    import jax
    _d = setup_inputs()
    print(jax.jit(kernel)(*tuple(_d.values())))

</pallas_src>

<mosaic_0001>
#map = affine_map<(d0, d1) -> (0, 0, 0)>
#map1 = affine_map<(d0, d1) -> (0, 0)>
module attributes {stable_mosaic.version = 14 : i64} {
  func.func @_emb_kernel(%arg0: i32, %arg1: i32, %arg2: memref<32x200x128xi32, #tpu.memory_space<hbm>>, %arg3: memref<100000x128xf32, #tpu.memory_space<hbm>>, %arg4: memref<819200x128xf32, #tpu.memory_space<hbm>>, %arg5: memref<200x128xi32, #tpu.memory_space<vmem>>, %arg6: memref<256x128xf32, #tpu.memory_space<vmem>>, %arg7: memref<256x128xf32, #tpu.memory_space<vmem>>, %arg8: memref<256x128xf32, #tpu.memory_space<vmem>>, %arg9: memref<!tpu.dma_semaphore, #tpu.memory_space<semaphore_mem>>, %arg10: memref<!tpu.dma_semaphore, #tpu.memory_space<semaphore_mem>>, %arg11: memref<!tpu.dma_semaphore, #tpu.memory_space<semaphore_mem>>, %arg12: memref<!tpu.dma_semaphore, #tpu.memory_space<semaphore_mem>>, %arg13: memref<!tpu.dma_semaphore, #tpu.memory_space<semaphore_mem>>, %arg14: memref<!tpu.dma_semaphore, #tpu.memory_space<semaphore_mem>>) attributes {dimension_semantics = [#tpu.dimension_semantics<core_parallel>, #tpu.dimension_semantics<subcore_parallel>], iteration_bounds = array<i64: 2, 16>, scalar_prefetch = 0 : i64, scratch_operands = 10 : i64, tpu.core_type = #tpu.core_type<sc_vector_subcore>, window_params = [{transform_indices = #map}, {transform_indices = #map1}, {transform_indices = #map1}]} {
    %mul3A = arith.constant 2 : i32
    %mul3A_0 = arith.muli %arg1, %mul3A : i32
    %add3A = arith.addi %mul3A_0, %arg0 : i32
    %mul3A_1 = arith.constant 25600 : i32
    %mul3A_2 = arith.muli %add3A, %mul3A_1 : i32
    "tpu.region"() ({
      %run_scoped3A = tpu.sem_alloc : memref<!tpu.dma_semaphore, #tpu.memory_space<semaphore_mem>>
      %dma_start3A_110 = arith.constant 0 : i32
      %dma_start3A_111 = arith.constant 0 : i32
      %dma_start3A_112 = tpu.memref_slice %arg2[%add3A, %dma_start3A_110, %dma_start3A_111] : memref<32x200x128xi32, #tpu.memory_space<hbm>> -> memref<1x200x128xi32, #tpu.memory_space<hbm>>
      %dma_start3A_113 = tpu.memref_squeeze %dma_start3A_112 : memref<1x200x128xi32, #tpu.memory_space<hbm>> -> memref<200x128xi32, #tpu.memory_space<hbm>>
      %dma_start3A_114 = arith.constant 0 : i32
      %dma_start3A_115 = arith.constant 0 : i32
      %dma_start3A_116 = tpu.memref_slice %arg2[%add3A, %dma_start3A_114, %dma_start3A_115] : memref<32x200x128xi32, #tpu.memory_space<hbm>> -> memref<1x200x128xi32, #tpu.memory_space<hbm>>
      %dma_start3A_117 = tpu.memref_squeeze %dma_start3A_116 : memref<1x200x128xi32, #tpu.memory_space<hbm>> -> memref<200x128xi32, #tpu.memory_space<hbm>>
      tpu.enqueue_dma source(%dma_start3A_117 : memref<200x128xi32, #tpu.memory_space<hbm>>) target(%arg5 : memref<200x128xi32, #tpu.memory_space<vmem>>) target_semaphore(%run_scoped3A : memref<!tpu.dma_semaphore, #tpu.memory_space<semaphore_mem>>)
      %dma_wait3A_118 = arith.constant 0 : i32
      %dma_wait3A_119 = arith.constant 0 : i32
      %dma_wait3A_120 = tpu.memref_slice %arg2[%add3A, %dma_wait3A_118, %dma_wait3A_119] : memref<32x200x128xi32, #tpu.memory_space<hbm>> -> memref<1x200x128xi32, #tpu.memory_space<hbm>>
      %dma_wait3A_121 = tpu.memref_squeeze %dma_wait3A_120 : memref<1x200x128xi32, #tpu.memory_space<hbm>> -> memref<200x128xi32, #tpu.memory_space<hbm>>
      %dma_wait3A_122 = arith.constant 0 : i32
      %dma_wait3A_123 = arith.constant 0 : i32
      %dma_wait3A_124 = tpu.memref_slice %arg2[%add3A, %dma_wait3A_122, %dma_wait3A_123] : memref<32x200x128xi32, #tpu.memory_space<hbm>> -> memref<1x200x128xi32, #tpu.memory_space<hbm>>
      %dma_wait3A_125 = tpu.memref_squeeze %dma_wait3A_124 : memref<1x200x128xi32, #tpu.memory_space<hbm>> -> memref<200x128xi32, #tpu.memory_space<hbm>>
      tpu.wait_dma2 semaphore(%run_scoped3A : memref<!tpu.dma_semaphore, #tpu.memory_space<semaphore_mem>>) src(%dma_wait3A_125 : memref<200x128xi32, #tpu.memory_space<hbm>>) dst(%arg5 : memref<200x128xi32, #tpu.memory_space<vmem>>)
      tpu.yield
    }) : () -> ()
    %dma_start3A = arith.constant 0 : i32
    %dma_start3A_3 = arith.constant 0 : i32
    %dma_start3A_4 = arith.constant 0 : i32
    %dma_start3A_5 = tpu.memref_slice %arg6[%dma_start3A_3, %dma_start3A_4] : memref<256x128xf32, #tpu.memory_space<vmem>> -> memref<128x128xf32, #tpu.memory_space<vmem>>
    %dma_start3A_6 = arith.constant 0 : i32
    %dma_start3A_7 = tpu.memref_slice %arg5[%dma_start3A, %dma_start3A_6] : memref<200x128xi32, #tpu.memory_space<vmem>> -> memref<1x128xi32, #tpu.memory_space<vmem>>
    %dma_start3A_8 = tpu.memref_squeeze %dma_start3A_7 : memref<1x128xi32, #tpu.memory_space<vmem>> -> memref<128xi32, #tpu.memory_space<vmem>>
    %dma_start3A_9 = arith.constant 0 : i32
    %dma_start3A_10 = arith.constant 0 : i32
    %dma_start3A_11 = tpu.memref_slice %arg3[%dma_start3A_9, %dma_start3A_10] : memref<100000x128xf32, #tpu.memory_space<hbm>> -> memref<100000x128xf32, #tpu.memory_space<hbm>>
    tpu.enqueue_indirect_dma source(%dma_start3A_11 : memref<100000x128xf32, #tpu.memory_space<hbm>>) target(%dma_start3A_5 : memref<128x128xf32, #tpu.memory_space<vmem>>) offsets(%dma_start3A_8 : memref<128xi32, #tpu.memory_space<vmem>>) semaphore(%arg9 : memref<!tpu.dma_semaphore, #tpu.memory_space<semaphore_mem>>)
    %dma_start3A_12 = arith.constant 1 : i32
    %dma_start3A_13 = arith.constant 128 : i32
    %dma_start3A_14 = arith.constant 0 : i32
    %dma_start3A_15 = tpu.memref_slice %arg6[%dma_start3A_13, %dma_start3A_14] : memref<256x128xf32, #tpu.memory_space<vmem>> -> memref<128x128xf32, #tpu.memory_space<vmem>>
    %dma_start3A_16 = arith.constant 0 : i32
    %dma_start3A_17 = tpu.memref_slice %arg5[%dma_start3A_12, %dma_start3A_16] : memref<200x128xi32, #tpu.memory_space<vmem>> -> memref<1x128xi32, #tpu.memory_space<vmem>>
    %dma_start3A_18 = tpu.memref_squeeze %dma_start3A_17 : memref<1x128xi32, #tpu.memory_space<vmem>> -> memref<128xi32, #tpu.memory_space<vmem>>
    %dma_start3A_19 = arith.constant 0 : i32
    %dma_start3A_20 = arith.constant 0 : i32
    %dma_start3A_21 = tpu.memref_slice %arg3[%dma_start3A_19, %dma_start3A_20] : memref<100000x128xf32, #tpu.memory_space<hbm>> -> memref<100000x128xf32, #tpu.memory_space<hbm>>
    tpu.enqueue_indirect_dma source(%dma_start3A_21 : memref<100000x128xf32, #tpu.memory_space<hbm>>) target(%dma_start3A_15 : memref<128x128xf32, #tpu.memory_space<vmem>>) offsets(%dma_start3A_18 : memref<128xi32, #tpu.memory_space<vmem>>) semaphore(%arg9 : memref<!tpu.dma_semaphore, #tpu.memory_space<semaphore_mem>>)
    %dma_start3A_22 = arith.constant 2 : i32
    %dma_start3A_23 = arith.constant 0 : i32
    %dma_start3A_24 = arith.constant 0 : i32
    %dma_start3A_25 = tpu.memref_slice %arg7[%dma_start3A_23, %dma_start3A_24] : memref<256x128xf32, #tpu.memory_space<vmem>> -> memref<128x128xf32, #tpu.memory_space<vmem>>
    %dma_start3A_26 = arith.constant 0 : i32
    %dma_start3A_27 = tpu.memref_slice %arg5[%dma_start3A_22, %dma_start3A_26] : memref<200x128xi32, #tpu.memory_space<vmem>> -> memref<1x128xi32, #tpu.memory_space<vmem>>
    %dma_start3A_28 = tpu.memref_squeeze %dma_start3A_27 : memref<1x128xi32, #tpu.memory_space<vmem>> -> memref<128xi32, #tpu.memory_space<vmem>>
    %dma_start3A_29 = arith.constant 0 : i32
    %dma_start3A_30 = arith.constant 0 : i32
    %dma_start3A_31 = tpu.memref_slice %arg3[%dma_start3A_29, %dma_start3A_30] : memref<100000x128xf32, #tpu.memory_space<hbm>> -> memref<100000x128xf32, #tpu.memory_space<hbm>>
    tpu.enqueue_indirect_dma source(%dma_start3A_31 : memref<100000x128xf32, #tpu.memory_space<hbm>>) target(%dma_start3A_25 : memref<128x128xf32, #tpu.memory_space<vmem>>) offsets(%dma_start3A_28 : memref<128xi32, #tpu.memory_space<vmem>>) semaphore(%arg10 : memref<!tpu.dma_semaphore, #tpu.memory_space<semaphore_mem>>)
    %dma_start3A_32 = arith.constant 3 : i32
    %dma_start3A_33 = arith.constant 128 : i32
    %dma_start3A_34 = arith.constant 0 : i32
    %dma_start3A_35 = tpu.memref_slice %arg7[%dma_start3A_33, %dma_start3A_34] : memref<256x128xf32, #tpu.memory_space<vmem>> -> memref<128x128xf32, #tpu.memory_space<vmem>>
    %dma_start3A_36 = arith.constant 0 : i32
    %dma_start3A_37 = tpu.memref_slice %arg5[%dma_start3A_32, %dma_start3A_36] : memref<200x128xi32, #tpu.memory_space<vmem>> -> memref<1x128xi32, #tpu.memory_space<vmem>>
    %dma_start3A_38 = tpu.memref_squeeze %dma_start3A_37 : memref<1x128xi32, #tpu.memory_space<vmem>> -> memref<128xi32, #tpu.memory_space<vmem>>
    %dma_start3A_39 = arith.constant 0 : i32
    %dma_start3A_40 = arith.constant 0 : i32
    %dma_start3A_41 = tpu.memref_slice %arg3[%dma_start3A_39, %dma_start3A_40] : memref<100000x128xf32, #tpu.memory_space<hbm>> -> memref<100000x128xf32, #tpu.memory_space<hbm>>
    tpu.enqueue_indirect_dma source(%dma_start3A_41 : memref<100000x128xf32, #tpu.memory_space<hbm>>) target(%dma_start3A_35 : memref<128x128xf32, #tpu.memory_space<vmem>>) offsets(%dma_start3A_38 : memref<128xi32, #tpu.memory_space<vmem>>) semaphore(%arg10 : memref<!tpu.dma_semaphore, #tpu.memory_space<semaphore_mem>>)
    %dma_start3A_42 = arith.constant 4 : i32
    %dma_start3A_43 = arith.constant 0 : i32
    %dma_start3A_44 = arith.constant 0 : i32
    %dma_start3A_45 = tpu.memref_slice %arg8[%dma_start3A_43, %dma_start3A_44] : memref<256x128xf32, #tpu.memory_space<vmem>> -> memref<128x128xf32, #tpu.memory_space<vmem>>
    %dma_start3A_46 = arith.constant 0 : i32
    %dma_start3A_47 = tpu.memref_slice %arg5[%dma_start3A_42, %dma_start3A_46] : memref<200x128xi32, #tpu.memory_space<vmem>> -> memref<1x128xi32, #tpu.memory_space<vmem>>
    %dma_start3A_48 = tpu.memref_squeeze %dma_start3A_47 : memref<1x128xi32, #tpu.memory_space<vmem>> -> memref<128xi32, #tpu.memory_space<vmem>>
    %dma_start3A_49 = arith.constant 0 : i32
    %dma_start3A_50 = arith.constant 0 : i32
    %dma_start3A_51 = tpu.memref_slice %arg3[%dma_start3A_49, %dma_start3A_50] : memref<100000x128xf32, #tpu.memory_space<hbm>> -> memref<100000x128xf32, #tpu.memory_space<hbm>>
    tpu.enqueue_indirect_dma source(%dma_start3A_51 : memref<100000x128xf32, #tpu.memory_space<hbm>>) target(%dma_start3A_45 : memref<128x128xf32, #tpu.memory_space<vmem>>) offsets(%dma_start3A_48 : memref<128xi32, #tpu.memory_space<vmem>>) semaphore(%arg11 : memref<!tpu.dma_semaphore, #tpu.memory_space<semaphore_mem>>)
    %dma_start3A_52 = arith.constant 5 : i32
    %dma_start3A_53 = arith.constant 128 : i32
    %dma_start3A_54 = arith.constant 0 : i32
    %dma_start3A_55 = tpu.memref_slice %arg8[%dma_start3A_53, %dma_start3A_54] : memref<256x128xf32, #tpu.memory_space<vmem>> -> memref<128x128xf32, #tpu.memory_space<vmem>>
    %dma_start3A_56 = arith.constant 0 : i32
    %dma_start3A_57 = tpu.memref_slice %arg5[%dma_start3A_52, %dma_start3A_56] : memref<200x128xi32, #tpu.memory_space<vmem>> -> memref<1x128xi32, #tpu.memory_space<vmem>>
    %dma_start3A_58 = tpu.memref_squeeze %dma_start3A_57 : memref<1x128xi32, #tpu.memory_space<vmem>> -> memref<128xi32, #tpu.memory_space<vmem>>
    %dma_start3A_59 = arith.constant 0 : i32
    %dma_start3A_60 = arith.constant 0 : i32
    %dma_start3A_61 = tpu.memref_slice %arg3[%dma_start3A_59, %dma_start3A_60] : memref<100000x128xf32, #tpu.memory_space<hbm>> -> memref<100000x128xf32, #tpu.memory_space<hbm>>
    tpu.enqueue_indirect_dma source(%dma_start3A_61 : memref<100000x128xf32, #tpu.memory_space<hbm>>) target(%dma_start3A_55 : memref<128x128xf32, #tpu.memory_space<vmem>>) offsets(%dma_start3A_58 : memref<128xi32, #tpu.memory_space<vmem>>) semaphore(%arg11 : memref<!tpu.dma_semaphore, #tpu.memory_space<semaphore_mem>>)
    %scan3A = arith.constant 0 : i32
    %scan3A_62 = arith.constant 0 : i32
    %scan3A_63 = arith.constant 33 : i32
    %scan3A_64 = arith.addi %scan3A_62, %scan3A_63 : i32
    %scan3A_65 = arith.constant 1 : i32
    scf.for %scan3A_110 = %scan3A_62 to %scan3A_64 step %scan3A_65  : i32 {
      %mul3A_111 = arith.constant 3 : i32
      %mul3A_112 = arith.muli %scan3A_110, %mul3A_111 : i32
      %add3A_113 = arith.constant 0 : i32
      %add3A_114 = arith.addi %mul3A_112, %add3A_113 : i32
      %mul3A_115 = arith.constant 2 : i32
      %mul3A_116 = arith.muli %mul3A_115, %add3A_114 : i32
      %add3A_117 = arith.constant 0 : i32
      %add3A_118 = arith.addi %mul3A_116, %add3A_117 : i32
      %dma_wait3A_119 = arith.constant 0 : i32
      %dma_wait3A_120 = arith.constant 0 : i32
      %dma_wait3A_121 = tpu.memref_slice %arg6[%dma_wait3A_119, %dma_wait3A_120] : memref<256x128xf32, #tpu.memory_space<vmem>> -> memref<128x128xf32, #tpu.memory_space<vmem>>
      %dma_wait3A_122 = arith.constant 0 : i32
      %dma_wait3A_123 = tpu.memref_slice %arg5[%add3A_118, %dma_wait3A_122] : memref<200x128xi32, #tpu.memory_space<vmem>> -> memref<1x128xi32, #tpu.memory_space<vmem>>
      %dma_wait3A_124 = tpu.memref_squeeze %dma_wait3A_123 : memref<1x128xi32, #tpu.memory_space<vmem>> -> memref<128xi32, #tpu.memory_space<vmem>>
      %dma_wait3A_125 = arith.constant 0 : i32
      %dma_wait3A_126 = arith.constant 0 : i32
      %dma_wait3A_127 = tpu.memref_slice %arg3[%dma_wait3A_125, %dma_wait3A_126] : memref<100000x128xf32, #tpu.memory_space<hbm>> -> memref<100000x128xf32, #tpu.memory_space<hbm>>
      tpu.wait_indirect_dma semaphore(%arg9 : memref<!tpu.dma_semaphore, #tpu.memory_space<semaphore_mem>>) src(%dma_wait3A_127 : memref<100000x128xf32, #tpu.memory_space<hbm>>) dst(%dma_wait3A_121 : memref<128x128xf32, #tpu.memory_space<vmem>>)
      %mul3A_128 = arith.constant 2 : i32
      %mul3A_129 = arith.muli %mul3A_128, %add3A_114 : i32
      %add3A_130 = arith.constant 1 : i32
      %add3A_131 = arith.addi %mul3A_129, %add3A_130 : i32
      %dma_wait3A_132 = arith.constant 128 : i32
      %dma_wait3A_133 = arith.constant 0 : i32
      %dma_wait3A_134 = tpu.memref_slice %arg6[%dma_wait3A_132, %dma_wait3A_133] : memref<256x128xf32, #tpu.memory_space<vmem>> -> memref<128x128xf32, #tpu.memory_space<vmem>>
      %dma_wait3A_135 = arith.constant 0 : i32
      %dma_wait3A_136 = tpu.memref_slice %arg5[%add3A_131, %dma_wait3A_135] : memref<200x128xi32, #tpu.memory_space<vmem>> -> memref<1x128xi32, #tpu.memory_space<vmem>>
      %dma_wait3A_137 = tpu.memref_squeeze %dma_wait3A_136 : memref<1x128xi32, #tpu.memory_space<vmem>> -> memref<128xi32, #tpu.memory_space<vmem>>
      %dma_wait3A_138 = arith.constant 0 : i32
      %dma_wait3A_139 = arith.constant 0 : i32
      %dma_wait3A_140 = tpu.memref_slice %arg3[%dma_wait3A_138, %dma_wait3A_139] : memref<100000x128xf32, #tpu.memory_space<hbm>> -> memref<100000x128xf32, #tpu.memory_space<hbm>>
      tpu.wait_indirect_dma semaphore(%arg9 : memref<!tpu.dma_semaphore, #tpu.memory_space<semaphore_mem>>) src(%dma_wait3A_140 : memref<100000x128xf32, #tpu.memory_space<hbm>>) dst(%dma_wait3A_134 : memref<128x128xf32, #tpu.memory_space<vmem>>)
      %add3A_141 = arith.constant 0 : i32
      %add3A_142 = arith.addi %mul3A_112, %add3A_141 : i32
      %mul3A_143 = arith.constant 256 : i32
      %mul3A_144 = arith.muli %add3A_142, %mul3A_143 : i32
      %add3A_145 = arith.addi %mul3A_2, %mul3A_144 : i32
      %dma_start3A_146 = arith.constant 0 : i32
      %dma_start3A_147 = tpu.memref_slice %arg4[%add3A_145, %dma_start3A_146] : memref<819200x128xf32, #tpu.memory_space<hbm>> -> memref<256x128xf32, #tpu.memory_space<hbm>>
      %dma_start3A_148 = arith.constant 0 : i32
      %dma_start3A_149 = tpu.memref_slice %arg4[%add3A_145, %dma_start3A_148] : memref<819200x128xf32, #tpu.memory_space<hbm>> -> memref<256x128xf32, #tpu.memory_space<hbm>>
      tpu.enqueue_dma source(%arg6 : memref<256x128xf32, #tpu.memory_space<vmem>>) target(%dma_start3A_149 : memref<256x128xf32, #tpu.memory_space<hbm>>) target_semaphore(%arg12 : memref<!tpu.dma_semaphore, #tpu.memory_space<semaphore_mem>>)
      %add3A_150 = arith.constant 1 : i32
      %add3A_151 = arith.addi %mul3A_112, %add3A_150 : i32
      %mul3A_152 = arith.constant 2 : i32
      %mul3A_153 = arith.muli %mul3A_152, %add3A_151 : i32
      %add3A_154 = arith.constant 0 : i32
      %add3A_155 = arith.addi %mul3A_153, %add3A_154 : i32
      %dma_wait3A_156 = arith.constant 0 : i32
      %dma_wait3A_157 = arith.constant 0 : i32
      %dma_wait3A_158 = tpu.memref_slice %arg7[%dma_wait3A_156, %dma_wait3A_157] : memref<256x128xf32, #tpu.memory_space<vmem>> -> memref<128x128xf32, #tpu.memory_space<vmem>>
      %dma_wait3A_159 = arith.constant 0 : i32
      %dma_wait3A_160 = tpu.memref_slice %arg5[%add3A_155, %dma_wait3A_159] : memref<200x128xi32, #tpu.memory_space<vmem>> -> memref<1x128xi32, #tpu.memory_space<vmem>>
      %dma_wait3A_161 = tpu.memref_squeeze %dma_wait3A_160 : memref<1x128xi32, #tpu.memory_space<vmem>> -> memref<128xi32, #tpu.memory_space<vmem>>
      %dma_wait3A_162 = arith.constant 0 : i32
      %dma_wait3A_163 = arith.constant 0 : i32
      %dma_wait3A_164 = tpu.memref_slice %arg3[%dma_wait3A_162, %dma_wait3A_163] : memref<100000x128xf32, #tpu.memory_space<hbm>> -> memref<100000x128xf32, #tpu.memory_space<hbm>>
      tpu.wait_indirect_dma semaphore(%arg10 : memref<!tpu.dma_semaphore, #tpu.memory_space<semaphore_mem>>) src(%dma_wait3A_164 : memref<100000x128xf32, #tpu.memory_space<hbm>>) dst(%dma_wait3A_158 : memref<128x128xf32, #tpu.memory_space<vmem>>)
      %mul3A_165 = arith.constant 2 : i32
      %mul3A_166 = arith.muli %mul3A_165, %add3A_151 : i32
      %add3A_167 = arith.constant 1 : i32
      %add3A_168 = arith.addi %mul3A_166, %add3A_167 : i32
      %dma_wait3A_169 = arith.constant 128 : i32
      %dma_wait3A_170 = arith.constant 0 : i32
      %dma_wait3A_171 = tpu.memref_slice %arg7[%dma_wait3A_169, %dma_wait3A_170] : memref<256x128xf32, #tpu.memory_space<vmem>> -> memref<128x128xf32, #tpu.memory_space<vmem>>
      %dma_wait3A_172 = arith.constant 0 : i32
      %dma_wait3A_173 = tpu.memref_slice %arg5[%add3A_168, %dma_wait3A_172] : memref<200x128xi32, #tpu.memory_space<vmem>> -> memref<1x128xi32, #tpu.memory_space<vmem>>
      %dma_wait3A_174 = tpu.memref_squeeze %dma_wait3A_173 : memref<1x128xi32, #tpu.memory_space<vmem>> -> memref<128xi32, #tpu.memory_space<vmem>>
      %dma_wait3A_175 = arith.constant 0 : i32
      %dma_wait3A_176 = arith.constant 0 : i32
      %dma_wait3A_177 = tpu.memref_slice %arg3[%dma_wait3A_175, %dma_wait3A_176] : memref<100000x128xf32, #tpu.memory_space<hbm>> -> memref<100000x128xf32, #tpu.memory_space<hbm>>
      tpu.wait_indirect_dma semaphore(%arg10 : memref<!tpu.dma_semaphore, #tpu.memory_space<semaphore_mem>>) src(%dma_wait3A_177 : memref<100000x128xf32, #tpu.memory_space<hbm>>) dst(%dma_wait3A_171 : memref<128x128xf32, #tpu.memory_space<vmem>>)
      %add3A_178 = arith.constant 1 : i32
      %add3A_179 = arith.addi %mul3A_112, %add3A_178 : i32
      %mul3A_180 = arith.constant 256 : i32
      %mul3A_181 = arith.muli %add3A_179, %mul3A_180 : i32
      %add3A_182 = arith.addi %mul3A_2, %mul3A_181 : i32
      %dma_start3A_183 = arith.constant 0 : i32
      %dma_start3A_184 = tpu.memref_slice %arg4[%add3A_182, %dma_start3A_183] : memref<819200x128xf32, #tpu.memory_space<hbm>> -> memref<256x128xf32, #tpu.memory_space<hbm>>
      %dma_start3A_185 = arith.constant 0 : i32
      %dma_start3A_186 = tpu.memref_slice %arg4[%add3A_182, %dma_start3A_185] : memref<819200x128xf32, #tpu.memory_space<hbm>> -> memref<256x128xf32, #tpu.memory_space<hbm>>
      tpu.enqueue_dma source(%arg7 : memref<256x128xf32, #tpu.memory_space<vmem>>) target(%dma_start3A_186 : memref<256x128xf32, #tpu.memory_space<hbm>>) target_semaphore(%arg13 : memref<!tpu.dma_semaphore, #tpu.memory_space<semaphore_mem>>)
      %add3A_187 = arith.constant 2 : i32
      %add3A_188 = arith.addi %mul3A_112, %add3A_187 : i32
      %mul3A_189 = arith.constant 2 : i32
      %mul3A_190 = arith.muli %mul3A_189, %add3A_188 : i32
      %add3A_191 = arith.constant 0 : i32
      %add3A_192 = arith.addi %mul3A_190, %add3A_191 : i32
      %dma_wait3A_193 = arith.constant 0 : i32
      %dma_wait3A_194 = arith.constant 0 : i32
      %dma_wait3A_195 = tpu.memref_slice %arg8[%dma_wait3A_193, %dma_wait3A_194] : memref<256x128xf32, #tpu.memory_space<vmem>> -> memref<128x128xf32, #tpu.memory_space<vmem>>
      %dma_wait3A_196 = arith.constant 0 : i32
      %dma_wait3A_197 = tpu.memref_slice %arg5[%add3A_192, %dma_wait3A_196] : memref<200x128xi32, #tpu.memory_space<vmem>> -> memref<1x128xi32, #tpu.memory_space<vmem>>
      %dma_wait3A_198 = tpu.memref_squeeze %dma_wait3A_197 : memref<1x128xi32, #tpu.memory_space<vmem>> -> memref<128xi32, #tpu.memory_space<vmem>>
      %dma_wait3A_199 = arith.constant 0 : i32
      %dma_wait3A_200 = arith.constant 0 : i32
      %dma_wait3A_201 = tpu.memref_slice %arg3[%dma_wait3A_199, %dma_wait3A_200] : memref<100000x128xf32, #tpu.memory_space<hbm>> -> memref<100000x128xf32, #tpu.memory_space<hbm>>
      tpu.wait_indirect_dma semaphore(%arg11 : memref<!tpu.dma_semaphore, #tpu.memory_space<semaphore_mem>>) src(%dma_wait3A_201 : memref<100000x128xf32, #tpu.memory_space<hbm>>) dst(%dma_wait3A_195 : memref<128x128xf32, #tpu.memory_space<vmem>>)
      %mul3A_202 = arith.constant 2 : i32
      %mul3A_203 = arith.muli %mul3A_202, %add3A_188 : i32
      %add3A_204 = arith.constant 1 : i32
      %add3A_205 = arith.addi %mul3A_203, %add3A_204 : i32
      %dma_wait3A_206 = arith.constant 128 : i32
      %dma_wait3A_207 = arith.constant 0 : i32
      %dma_wait3A_208 = tpu.memref_slice %arg8[%dma_wait3A_206, %dma_wait3A_207] : memref<256x128xf32, #tpu.memory_space<vmem>> -> memref<128x128xf32, #tpu.memory_space<vmem>>
      %dma_wait3A_209 = arith.constant 0 : i32
      %dma_wait3A_210 = tpu.memref_slice %arg5[%add3A_205, %dma_wait3A_209] : memref<200x128xi32, #tpu.memory_space<vmem>> -> memref<1x128xi32, #tpu.memory_space<vmem>>
      %dma_wait3A_211 = tpu.memref_squeeze %dma_wait3A_210 : memref<1x128xi32, #tpu.memory_space<vmem>> -> memref<128xi32, #tpu.memory_space<vmem>>
      %dma_wait3A_212 = arith.constant 0 : i32
      %dma_wait3A_213 = arith.constant 0 : i32
      %dma_wait3A_214 = tpu.memref_slice %arg3[%dma_wait3A_212, %dma_wait3A_213] : memref<100000x128xf32, #tpu.memory_space<hbm>> -> memref<100000x128xf32, #tpu.memory_space<hbm>>
      tpu.wait_indirect_dma semaphore(%arg11 : memref<!tpu.dma_semaphore, #tpu.memory_space<semaphore_mem>>) src(%dma_wait3A_214 : memref<100000x128xf32, #tpu.memory_space<hbm>>) dst(%dma_wait3A_208 : memref<128x128xf32, #tpu.memory_space<vmem>>)
      %add3A_215 = arith.constant 2 : i32
      %add3A_216 = arith.addi %mul3A_112, %add3A_215 : i32
      %mul3A_217 = arith.constant 256 : i32
      %mul3A_218 = arith.muli %add3A_216, %mul3A_217 : i32
      %add3A_219 = arith.addi %mul3A_2, %mul3A_218 : i32
      %dma_start3A_220 = arith.constant 0 : i32
      %dma_start3A_221 = tpu.memref_slice %arg4[%add3A_219, %dma_start3A_220] : memref<819200x128xf32, #tpu.memory_space<hbm>> -> memref<256x128xf32, #tpu.memory_space<hbm>>
      %dma_start3A_222 = arith.constant 0 : i32
      %dma_start3A_223 = tpu.memref_slice %arg4[%add3A_219, %dma_start3A_222] : memref<819200x128xf32, #tpu.memory_space<hbm>> -> memref<256x128xf32, #tpu.memory_space<hbm>>
      tpu.enqueue_dma source(%arg8 : memref<256x128xf32, #tpu.memory_space<vmem>>) target(%dma_start3A_223 : memref<256x128xf32, #tpu.memory_space<hbm>>) target_semaphore(%arg14 : memref<!tpu.dma_semaphore, #tpu.memory_space<semaphore_mem>>)
      %add3A_224 = arith.constant 3 : i32
      %add3A_225 = arith.addi %mul3A_112, %add3A_224 : i32
      %add3A_226 = arith.constant 0 : i32
      %add3A_227 = arith.addi %add3A_225, %add3A_226 : i32
      %lt3A = arith.constant 100 : i32
      %lt3A_228 = arith.cmpi slt, %add3A_227, %lt3A : i32
      %convert_element_type3A = arith.extui %lt3A_228 : i1 to i32
      %cond3A = arith.constant 0 : i32
      %cond3A_229 = arith.cmpi ne, %convert_element_type3A, %cond3A : i32
      scf.if %cond3A_229 {
        %sub3A = arith.constant 3 : i32
        %sub3A_248 = arith.subi %add3A_227, %sub3A : i32
        %mul3A_249 = arith.constant 256 : i32
        %mul3A_250 = arith.muli %sub3A_248, %mul3A_249 : i32
        %add3A_251 = arith.addi %mul3A_2, %mul3A_250 : i32
        %dma_wait3A_252 = arith.constant 0 : i32
        %dma_wait3A_253 = tpu.memref_slice %arg4[%add3A_251, %dma_wait3A_252] : memref<819200x128xf32, #tpu.memory_space<hbm>> -> memref<256x128xf32, #tpu.memory_space<hbm>>
        %dma_wait3A_254 = arith.constant 0 : i32
        %dma_wait3A_255 = tpu.memref_slice %arg4[%add3A_251, %dma_wait3A_254] : memref<819200x128xf32, #tpu.memory_space<hbm>> -> memref<256x128xf32, #tpu.memory_space<hbm>>
        tpu.wait_dma2 semaphore(%arg12 : memref<!tpu.dma_semaphore, #tpu.memory_space<semaphore_mem>>) src(%arg6 : memref<256x128xf32, #tpu.memory_space<vmem>>) dst(%dma_wait3A_255 : memref<256x128xf32, #tpu.memory_space<hbm>>)
        %mul3A_256 = arith.constant 2 : i32
        %mul3A_257 = arith.muli %mul3A_256, %add3A_227 : i32
        %add3A_258 = arith.constant 0 : i32
        %add3A_259 = arith.addi %mul3A_257, %add3A_258 : i32
        %dma_start3A_260 = arith.constant 0 : i32
        %dma_start3A_261 = arith.constant 0 : i32
        %dma_start3A_262 = tpu.memref_slice %arg6[%dma_start3A_260, %dma_start3A_261] : memref<256x128xf32, #tpu.memory_space<vmem>> -> memref<128x128xf32, #tpu.memory_space<vmem>>
        %dma_start3A_263 = arith.constant 0 : i32
        %dma_start3A_264 = tpu.memref_slice %arg5[%add3A_259, %dma_start3A_263] : memref<200x128xi32, #tpu.memory_space<vmem>> -> memref<1x128xi32, #tpu.memory_space<vmem>>
        %dma_start3A_265 = tpu.memref_squeeze %dma_start3A_264 : memref<1x128xi32, #tpu.memory_space<vmem>> -> memref<128xi32, #tpu.memory_space<vmem>>
        %dma_start3A_266 = arith.constant 0 : i32
        %dma_start3A_267 = arith.constant 0 : i32
        %dma_start3A_268 = tpu.memref_slice %arg3[%dma_start3A_266, %dma_start3A_267] : memref<100000x128xf32, #tpu.memory_space<hbm>> -> memref<100000x128xf32, #tpu.memory_space<hbm>>
        tpu.enqueue_indirect_dma source(%dma_start3A_268 : memref<100000x128xf32, #tpu.memory_space<hbm>>) target(%dma_start3A_262 : memref<128x128xf32, #tpu.memory_space<vmem>>) offsets(%dma_start3A_265 : memref<128xi32, #tpu.memory_space<vmem>>) semaphore(%arg9 : memref<!tpu.dma_semaphore, #tpu.memory_space<semaphore_mem>>)
        %mul3A_269 = arith.constant 2 : i32
        %mul3A_270 = arith.muli %mul3A_269, %add3A_227 : i32
        %add3A_271 = arith.constant 1 : i32
        %add3A_272 = arith.addi %mul3A_270, %add3A_271 : i32
        %dma_start3A_273 = arith.constant 128 : i32
        %dma_start3A_274 = arith.constant 0 : i32
        %dma_start3A_275 = tpu.memref_slice %arg6[%dma_start3A_273, %dma_start3A_274] : memref<256x128xf32, #tpu.memory_space<vmem>> -> memref<128x128xf32, #tpu.memory_space<vmem>>
        %dma_start3A_276 = arith.constant 0 : i32
        %dma_start3A_277 = tpu.memref_slice %arg5[%add3A_272, %dma_start3A_276] : memref<200x128xi32, #tpu.memory_space<vmem>> -> memref<1x128xi32, #tpu.memory_space<vmem>>
        %dma_start3A_278 = tpu.memref_squeeze %dma_start3A_277 : memref<1x128xi32, #tpu.memory_space<vmem>> -> memref<128xi32, #tpu.memory_space<vmem>>
        %dma_start3A_279 = arith.constant 0 : i32
        %dma_start3A_280 = arith.constant 0 : i32
        %dma_start3A_281 = tpu.memref_slice %arg3[%dma_start3A_279, %dma_start3A_280] : memref<100000x128xf32, #tpu.memory_space<hbm>> -> memref<100000x128xf32, #tpu.memory_space<hbm>>
        tpu.enqueue_indirect_dma source(%dma_start3A_281 : memref<100000x128xf32, #tpu.memory_space<hbm>>) target(%dma_start3A_275 : memref<128x128xf32, #tpu.memory_space<vmem>>) offsets(%dma_start3A_278 : memref<128xi32, #tpu.memory_space<vmem>>) semaphore(%arg9 : memref<!tpu.dma_semaphore, #tpu.memory_space<semaphore_mem>>)
      } else {
      }
      %add3A_230 = arith.constant 3 : i32
      %add3A_231 = arith.addi %mul3A_112, %add3A_230 : i32
      %add3A_232 = arith.constant 1 : i32
      %add3A_233 = arith.addi %add3A_231, %add3A_232 : i32
      %lt3A_234 = arith.constant 100 : i32
      %lt3A_235 = arith.cmpi slt, %add3A_233, %lt3A_234 : i32
      %convert_element_type3A_236 = arith.extui %lt3A_235 : i1 to i32
      %cond3A_237 = arith.constant 0 : i32
      %cond3A_238 = arith.cmpi ne, %convert_element_type3A_236, %cond3A_237 : i32
      scf.if %cond3A_238 {
        %sub3A = arith.constant 3 : i32
        %sub3A_248 = arith.subi %add3A_233, %sub3A : i32
        %mul3A_249 = arith.constant 256 : i32
        %mul3A_250 = arith.muli %sub3A_248, %mul3A_249 : i32
        %add3A_251 = arith.addi %mul3A_2, %mul3A_250 : i32
        %dma_wait3A_252 = arith.constant 0 : i32
        %dma_wait3A_253 = tpu.memref_slice %arg4[%add3A_251, %dma_wait3A_252] : memref<819200x128xf32, #tpu.memory_space<hbm>> -> memref<256x128xf32, #tpu.memory_space<hbm>>
        %dma_wait3A_254 = arith.constant 0 : i32
        %dma_wait3A_255 = tpu.memref_slice %arg4[%add3A_251, %dma_wait3A_254] : memref<819200x128xf32, #tpu.memory_space<hbm>> -> memref<256x128xf32, #tpu.memory_space<hbm>>
        tpu.wait_dma2 semaphore(%arg13 : memref<!tpu.dma_semaphore, #tpu.memory_space<semaphore_mem>>) src(%arg7 : memref<256x128xf32, #tpu.memory_space<vmem>>) dst(%dma_wait3A_255 : memref<256x128xf32, #tpu.memory_space<hbm>>)
        %mul3A_256 = arith.constant 2 : i32
        %mul3A_257 = arith.muli %mul3A_256, %add3A_233 : i32
        %add3A_258 = arith.constant 0 : i32
        %add3A_259 = arith.addi %mul3A_257, %add3A_258 : i32
        %dma_start3A_260 = arith.constant 0 : i32
        %dma_start3A_261 = arith.constant 0 : i32
        %dma_start3A_262 = tpu.memref_slice %arg7[%dma_start3A_260, %dma_start3A_261] : memref<256x128xf32, #tpu.memory_space<vmem>> -> memref<128x128xf32, #tpu.memory_space<vmem>>
        %dma_start3A_263 = arith.constant 0 : i32
        %dma_start3A_264 = tpu.memref_slice %arg5[%add3A_259, %dma_start3A_263] : memref<200x128xi32, #tpu.memory_space<vmem>> -> memref<1x128xi32, #tpu.memory_space<vmem>>
        %dma_start3A_265 = tpu.memref_squeeze %dma_start3A_264 : memref<1x128xi32, #tpu.memory_space<vmem>> -> memref<128xi32, #tpu.memory_space<vmem>>
        %dma_start3A_266 = arith.constant 0 : i32
        %dma_start3A_267 = arith.constant 0 : i32
        %dma_start3A_268 = tpu.memref_slice %arg3[%dma_start3A_266, %dma_start3A_267] : memref<100000x128xf32, #tpu.memory_space<hbm>> -> memref<100000x128xf32, #tpu.memory_space<hbm>>
        tpu.enqueue_indirect_dma source(%dma_start3A_268 : memref<100000x128xf32, #tpu.memory_space<hbm>>) target(%dma_start3A_262 : memref<128x128xf32, #tpu.memory_space<vmem>>) offsets(%dma_start3A_265 : memref<128xi32, #tpu.memory_space<vmem>>) semaphore(%arg10 : memref<!tpu.dma_semaphore, #tpu.memory_space<semaphore_mem>>)
        %mul3A_269 = arith.constant 2 : i32
        %mul3A_270 = arith.muli %mul3A_269, %add3A_233 : i32
        %add3A_271 = arith.constant 1 : i32
        %add3A_272 = arith.addi %mul3A_270, %add3A_271 : i32
        %dma_start3A_273 = arith.constant 128 : i32
        %dma_start3A_274 = arith.constant 0 : i32
        %dma_start3A_275 = tpu.memref_slice %arg7[%dma_start3A_273, %dma_start3A_274] : memref<256x128xf32, #tpu.memory_space<vmem>> -> memref<128x128xf32, #tpu.memory_space<vmem>>
        %dma_start3A_276 = arith.constant 0 : i32
        %dma_start3A_277 = tpu.memref_slice %arg5[%add3A_272, %dma_start3A_276] : memref<200x128xi32, #tpu.memory_space<vmem>> -> memref<1x128xi32, #tpu.memory_space<vmem>>
        %dma_start3A_278 = tpu.memref_squeeze %dma_start3A_277 : memref<1x128xi32, #tpu.memory_space<vmem>> -> memref<128xi32, #tpu.memory_space<vmem>>
        %dma_start3A_279 = arith.constant 0 : i32
        %dma_start3A_280 = arith.constant 0 : i32
        %dma_start3A_281 = tpu.memref_slice %arg3[%dma_start3A_279, %dma_start3A_280] : memref<100000x128xf32, #tpu.memory_space<hbm>> -> memref<100000x128xf32, #tpu.memory_space<hbm>>
        tpu.enqueue_indirect_dma source(%dma_start3A_281 : memref<100000x128xf32, #tpu.memory_space<hbm>>) target(%dma_start3A_275 : memref<128x128xf32, #tpu.memory_space<vmem>>) offsets(%dma_start3A_278 : memref<128xi32, #tpu.memory_space<vmem>>) semaphore(%arg10 : memref<!tpu.dma_semaphore, #tpu.memory_space<semaphore_mem>>)
      } else {
      }
      %add3A_239 = arith.constant 3 : i32
      %add3A_240 = arith.addi %mul3A_112, %add3A_239 : i32
      %add3A_241 = arith.constant 2 : i32
      %add3A_242 = arith.addi %add3A_240, %add3A_241 : i32
      %lt3A_243 = arith.constant 100 : i32
      %lt3A_244 = arith.cmpi slt, %add3A_242, %lt3A_243 : i32
      %convert_element_type3A_245 = arith.extui %lt3A_244 : i1 to i32
      %cond3A_246 = arith.constant 0 : i32
      %cond3A_247 = arith.cmpi ne, %convert_element_type3A_245, %cond3A_246 : i32
      scf.if %cond3A_247 {
        %sub3A = arith.constant 3 : i32
        %sub3A_248 = arith.subi %add3A_242, %sub3A : i32
        %mul3A_249 = arith.constant 256 : i32
        %mul3A_250 = arith.muli %sub3A_248, %mul3A_249 : i32
        %add3A_251 = arith.addi %mul3A_2, %mul3A_250 : i32
        %dma_wait3A_252 = arith.constant 0 : i32
        %dma_wait3A_253 = tpu.memref_slice %arg4[%add3A_251, %dma_wait3A_252] : memref<819200x128xf32, #tpu.memory_space<hbm>> -> memref<256x128xf32, #tpu.memory_space<hbm>>
        %dma_wait3A_254 = arith.constant 0 : i32
        %dma_wait3A_255 = tpu.memref_slice %arg4[%add3A_251, %dma_wait3A_254] : memref<819200x128xf32, #tpu.memory_space<hbm>> -> memref<256x128xf32, #tpu.memory_space<hbm>>
        tpu.wait_dma2 semaphore(%arg14 : memref<!tpu.dma_semaphore, #tpu.memory_space<semaphore_mem>>) src(%arg8 : memref<256x128xf32, #tpu.memory_space<vmem>>) dst(%dma_wait3A_255 : memref<256x128xf32, #tpu.memory_space<hbm>>)
        %mul3A_256 = arith.constant 2 : i32
        %mul3A_257 = arith.muli %mul3A_256, %add3A_242 : i32
        %add3A_258 = arith.constant 0 : i32
        %add3A_259 = arith.addi %mul3A_257, %add3A_258 : i32
        %dma_start3A_260 = arith.constant 0 : i32
        %dma_start3A_261 = arith.constant 0 : i32
        %dma_start3A_262 = tpu.memref_slice %arg8[%dma_start3A_260, %dma_start3A_261] : memref<256x128xf32, #tpu.memory_space<vmem>> -> memref<128x128xf32, #tpu.memory_space<vmem>>
        %dma_start3A_263 = arith.constant 0 : i32
        %dma_start3A_264 = tpu.memref_slice %arg5[%add3A_259, %dma_start3A_263] : memref<200x128xi32, #tpu.memory_space<vmem>> -> memref<1x128xi32, #tpu.memory_space<vmem>>
        %dma_start3A_265 = tpu.memref_squeeze %dma_start3A_264 : memref<1x128xi32, #tpu.memory_space<vmem>> -> memref<128xi32, #tpu.memory_space<vmem>>
        %dma_start3A_266 = arith.constant 0 : i32
        %dma_start3A_267 = arith.constant 0 : i32
        %dma_start3A_268 = tpu.memref_slice %arg3[%dma_start3A_266, %dma_start3A_267] : memref<100000x128xf32, #tpu.memory_space<hbm>> -> memref<100000x128xf32, #tpu.memory_space<hbm>>
        tpu.enqueue_indirect_dma source(%dma_start3A_268 : memref<100000x128xf32, #tpu.memory_space<hbm>>) target(%dma_start3A_262 : memref<128x128xf32, #tpu.memory_space<vmem>>) offsets(%dma_start3A_265 : memref<128xi32, #tpu.memory_space<vmem>>) semaphore(%arg11 : memref<!tpu.dma_semaphore, #tpu.memory_space<semaphore_mem>>)
        %mul3A_269 = arith.constant 2 : i32
        %mul3A_270 = arith.muli %mul3A_269, %add3A_242 : i32
        %add3A_271 = arith.constant 1 : i32
        %add3A_272 = arith.addi %mul3A_270, %add3A_271 : i32
        %dma_start3A_273 = arith.constant 128 : i32
        %dma_start3A_274 = arith.constant 0 : i32
        %dma_start3A_275 = tpu.memref_slice %arg8[%dma_start3A_273, %dma_start3A_274] : memref<256x128xf32, #tpu.memory_space<vmem>> -> memref<128x128xf32, #tpu.memory_space<vmem>>
        %dma_start3A_276 = arith.constant 0 : i32
        %dma_start3A_277 = tpu.memref_slice %arg5[%add3A_272, %dma_start3A_276] : memref<200x128xi32, #tpu.memory_space<vmem>> -> memref<1x128xi32, #tpu.memory_space<vmem>>
        %dma_start3A_278 = tpu.memref_squeeze %dma_start3A_277 : memref<1x128xi32, #tpu.memory_space<vmem>> -> memref<128xi32, #tpu.memory_space<vmem>>
        %dma_start3A_279 = arith.constant 0 : i32
        %dma_start3A_280 = arith.constant 0 : i32
        %dma_start3A_281 = tpu.memref_slice %arg3[%dma_start3A_279, %dma_start3A_280] : memref<100000x128xf32, #tpu.memory_space<hbm>> -> memref<100000x128xf32, #tpu.memory_space<hbm>>
        tpu.enqueue_indirect_dma source(%dma_start3A_281 : memref<100000x128xf32, #tpu.memory_space<hbm>>) target(%dma_start3A_275 : memref<128x128xf32, #tpu.memory_space<vmem>>) offsets(%dma_start3A_278 : memref<128xi32, #tpu.memory_space<vmem>>) semaphore(%arg11 : memref<!tpu.dma_semaphore, #tpu.memory_space<semaphore_mem>>)
      } else {
      }
    }
    %scan3A_66 = arith.constant 33 : i32
    %dma_wait3A = arith.constant 198 : i32
    %dma_wait3A_67 = arith.constant 0 : i32
    %dma_wait3A_68 = arith.constant 0 : i32
    %dma_wait3A_69 = tpu.memref_slice %arg6[%dma_wait3A_67, %dma_wait3A_68] : memref<256x128xf32, #tpu.memory_space<vmem>> -> memref<128x128xf32, #tpu.memory_space<vmem>>
    %dma_wait3A_70 = arith.constant 0 : i32
    %dma_wait3A_71 = tpu.memref_slice %arg5[%dma_wait3A, %dma_wait3A_70] : memref<200x128xi32, #tpu.memory_space<vmem>> -> memref<1x128xi32, #tpu.memory_space<vmem>>
    %dma_wait3A_72 = tpu.memref_squeeze %dma_wait3A_71 : memref<1x128xi32, #tpu.memory_space<vmem>> -> memref<128xi32, #tpu.memory_space<vmem>>
    %dma_wait3A_73 = arith.constant 0 : i32
    %dma_wait3A_74 = arith.constant 0 : i32
    %dma_wait3A_75 = tpu.memref_slice %arg3[%dma_wait3A_73, %dma_wait3A_74] : memref<100000x128xf32, #tpu.memory_space<hbm>> -> memref<100000x128xf32, #tpu.memory_space<hbm>>
    tpu.wait_indirect_dma semaphore(%arg9 : memref<!tpu.dma_semaphore, #tpu.memory_space<semaphore_mem>>) src(%dma_wait3A_75 : memref<100000x128xf32, #tpu.memory_space<hbm>>) dst(%dma_wait3A_69 : memref<128x128xf32, #tpu.memory_space<vmem>>)
    %dma_wait3A_76 = arith.constant 199 : i32
    %dma_wait3A_77 = arith.constant 128 : i32
    %dma_wait3A_78 = arith.constant 0 : i32
    %dma_wait3A_79 = tpu.memref_slice %arg6[%dma_wait3A_77, %dma_wait3A_78] : memref<256x128xf32, #tpu.memory_space<vmem>> -> memref<128x128xf32, #tpu.memory_space<vmem>>
    %dma_wait3A_80 = arith.constant 0 : i32
    %dma_wait3A_81 = tpu.memref_slice %arg5[%dma_wait3A_76, %dma_wait3A_80] : memref<200x128xi32, #tpu.memory_space<vmem>> -> memref<1x128xi32, #tpu.memory_space<vmem>>
    %dma_wait3A_82 = tpu.memref_squeeze %dma_wait3A_81 : memref<1x128xi32, #tpu.memory_space<vmem>> -> memref<128xi32, #tpu.memory_space<vmem>>
    %dma_wait3A_83 = arith.constant 0 : i32
    %dma_wait3A_84 = arith.constant 0 : i32
    %dma_wait3A_85 = tpu.memref_slice %arg3[%dma_wait3A_83, %dma_wait3A_84] : memref<100000x128xf32, #tpu.memory_space<hbm>> -> memref<100000x128xf32, #tpu.memory_space<hbm>>
    tpu.wait_indirect_dma semaphore(%arg9 : memref<!tpu.dma_semaphore, #tpu.memory_space<semaphore_mem>>) src(%dma_wait3A_85 : memref<100000x128xf32, #tpu.memory_space<hbm>>) dst(%dma_wait3A_79 : memref<128x128xf32, #tpu.memory_space<vmem>>)
    %add3A_86 = arith.constant 25344 : i32
    %add3A_87 = arith.addi %mul3A_2, %add3A_86 : i32
    %dma_start3A_88 = arith.constant 0 : i32
    %dma_start3A_89 = tpu.memref_slice %arg4[%add3A_87, %dma_start3A_88] : memref<819200x128xf32, #tpu.memory_space<hbm>> -> memref<256x128xf32, #tpu.memory_space<hbm>>
    %dma_start3A_90 = arith.constant 0 : i32
    %dma_start3A_91 = tpu.memref_slice %arg4[%add3A_87, %dma_start3A_90] : memref<819200x128xf32, #tpu.memory_space<hbm>> -> memref<256x128xf32, #tpu.memory_space<hbm>>
    tpu.enqueue_dma source(%arg6 : memref<256x128xf32, #tpu.memory_space<vmem>>) target(%dma_start3A_91 : memref<256x128xf32, #tpu.memory_space<hbm>>) target_semaphore(%arg12 : memref<!tpu.dma_semaphore, #tpu.memory_space<semaphore_mem>>)
    %add3A_92 = arith.constant 24832 : i32
    %add3A_93 = arith.addi %mul3A_2, %add3A_92 : i32
    %dma_wait3A_94 = arith.constant 0 : i32
    %dma_wait3A_95 = tpu.memref_slice %arg4[%add3A_93, %dma_wait3A_94] : memref<819200x128xf32, #tpu.memory_space<hbm>> -> memref<256x128xf32, #tpu.memory_space<hbm>>
    %dma_wait3A_96 = arith.constant 0 : i32
    %dma_wait3A_97 = tpu.memref_slice %arg4[%add3A_93, %dma_wait3A_96] : memref<819200x128xf32, #tpu.memory_space<hbm>> -> memref<256x128xf32, #tpu.memory_space<hbm>>
    tpu.wait_dma2 semaphore(%arg13 : memref<!tpu.dma_semaphore, #tpu.memory_space<semaphore_mem>>) src(%arg7 : memref<256x128xf32, #tpu.memory_space<vmem>>) dst(%dma_wait3A_97 : memref<256x128xf32, #tpu.memory_space<hbm>>)
    %add3A_98 = arith.constant 25088 : i32
    %add3A_99 = arith.addi %mul3A_2, %add3A_98 : i32
    %dma_wait3A_100 = arith.constant 0 : i32
    %dma_wait3A_101 = tpu.memref_slice %arg4[%add3A_99, %dma_wait3A_100] : memref<819200x128xf32, #tpu.memory_space<hbm>> -> memref<256x128xf32, #tpu.memory_space<hbm>>
    %dma_wait3A_102 = arith.constant 0 : i32
    %dma_wait3A_103 = tpu.memref_slice %arg4[%add3A_99, %dma_wait3A_102] : memref<819200x128xf32, #tpu.memory_space<hbm>> -> memref<256x128xf32, #tpu.memory_space<hbm>>
    tpu.wait_dma2 semaphore(%arg14 : memref<!tpu.dma_semaphore, #tpu.memory_space<semaphore_mem>>) src(%arg8 : memref<256x128xf32, #tpu.memory_space<vmem>>) dst(%dma_wait3A_103 : memref<256x128xf32, #tpu.memory_space<hbm>>)
    %add3A_104 = arith.constant 25344 : i32
    %add3A_105 = arith.addi %mul3A_2, %add3A_104 : i32
    %dma_wait3A_106 = arith.constant 0 : i32
    %dma_wait3A_107 = tpu.memref_slice %arg4[%add3A_105, %dma_wait3A_106] : memref<819200x128xf32, #tpu.memory_space<hbm>> -> memref<256x128xf32, #tpu.memory_space<hbm>>
    %dma_wait3A_108 = arith.constant 0 : i32
    %dma_wait3A_109 = tpu.memref_slice %arg4[%add3A_105, %dma_wait3A_108] : memref<819200x128xf32, #tpu.memory_space<hbm>> -> memref<256x128xf32, #tpu.memory_space<hbm>>
    tpu.wait_dma2 semaphore(%arg12 : memref<!tpu.dma_semaphore, #tpu.memory_space<semaphore_mem>>) src(%arg6 : memref<256x128xf32, #tpu.memory_space<vmem>>) dst(%dma_wait3A_109 : memref<256x128xf32, #tpu.memory_space<hbm>>)
    return
  }
}

module attributes {stable_mosaic.version = 14 : i64} {
  func.func @_mask_kernel(%arg0: i32, %arg1: memref<512x200xi32, #tpu.memory_space<vmem>>, %arg2: memref<512x200xf32, #tpu.memory_space<vmem>>) attributes {dimension_semantics = [#tpu.dimension_semantics<arbitrary>], iteration_bounds = array<i64: 8>, scalar_prefetch = 0 : i64, scratch_operands = 0 : i64, tpu.core_type = #tpu.core_type<tc>, window_params = [{transform_indices = @transform_0, window_bounds = array<i64: 512, 200>}, {transform_indices = @transform_1, window_bounds = array<i64: 512, 200>}]} {
    %get3A = arith.constant 0 : index
    %get3A_0 = arith.constant 0 : index
    %get3A_1 = vector.load %arg1[%get3A, %get3A_0] : memref<512x200xi32, #tpu.memory_space<vmem>>, vector<512x200xi32>
    %ne3A = arith.constant 0 : i32
    %ne3A_2 = vector.broadcast %ne3A : i32 to vector<512x200xi32>
    %ne3A_3 = arith.cmpi ne, %get3A_1, %ne3A_2 : vector<512x200xi32>
    %jit3A = arith.constant 1.000000e+00 : f32
    %jit3A_4 = arith.constant 0.000000e+00 : f32
    %broadcast_in_dim3A = vector.broadcast %jit3A : f32 to vector<512x200xf32>
    %broadcast_in_dim3A_5 = vector.broadcast %jit3A_4 : f32 to vector<512x200xf32>
    %select_n3A = arith.select %ne3A_3, %broadcast_in_dim3A, %broadcast_in_dim3A_5 : vector<512x200xi1>, vector<512x200xf32>
    %swap3A = arith.constant 0 : index
    %swap3A_6 = arith.constant 0 : index
    %swap3A_7 = vector.load %arg2[%swap3A, %swap3A_6] : memref<512x200xf32, #tpu.memory_space<vmem>>, vector<512x200xf32>
    tpu.vector_store %arg2[%swap3A, %swap3A_6], %select_n3A {strides = array<i32>} : memref<512x200xf32, #tpu.memory_space<vmem>>, vector<512x200xf32>,
    return
  }
  func.func @transform_0(%arg0: i32) -> (i32, i32) {
    %c0_i32 = arith.constant 0 : i32
    %c0_i32_0 = arith.constant 0 : i32
    return %arg0, %c0_i32 : i32, i32
  }
  func.func @transform_1(%arg0: i32) -> (i32, i32) {
    %c0_i32 = arith.constant 0 : i32
    %c0_i32_0 = arith.constant 0 : i32
    return %arg0, %c0_i32 : i32, i32
  }
}

</mosaic_0001>

<sc_bundles>
// kernel: kernel.4.cloned.1.call-start
scs
__scs_entry_jumppad:
0x0: {  	(pc) =	sbr.rel $0x88, $3  }
0x1: {  	(tag) =	ssettag $0x0;
	lr =	simm.s32 $0x1  }
0x2: {  	[smem:$0x3F9F] =	sst lr;
	_ =	strace $0xD0000000  }
0x3: {  	_ = 	snop  }
0x4: {  	_ = 	snop  }
0x5: {  	_ = 	snop  }
0x6: {  	_ = 	snop  }
0x7: {  	_ = 	snop  }
__scs_overlays_trampoline_lowered:
0x8: {  	[smem:$0x3FAE] =	sst s0  }
0x9: {  	[smem:$0x3FAF] =	sst s1  }
0xa: {  	[smem:$0x3FB0] =	sst s2  }
0xb: {  	[smem:$0x3FB1] =	sst s3  }
0xc: {  	[smem:$0x3FB2] =	sst s4  }
0xd: {  	[smem:$0x3FB3] =	sst s5  }
0xe: {  	[smem:$0x3FB4] =	sst s6  }
0xf: {  	[smem:$0x3FB5] =	sst s7  }
0x10: {  	[smem:$0x3FB6] =	sst s8  }
0x11: {  	[smem:$0x3FB7] =	sst s9;
	s0 =	simm.s32 @!p0 $0x0  }
0x12: {  	s1 =	sld [smem:$0x3F9D];
	s0 =	simm.s32 @p0 $0x1  }
0x13: {  	[smem:$0x3FB8] =	sst s0;
	s0 =	simm.s32 @!p1 $0x0  }
0x14: {  	s2 =	sld [smem:$0x3F9C];
	s0 =	simm.s32 @p1 $0x1  }
0x15: {  	[smem:$0x3FB9] =	sst s0;
	s0 =	simm.s32 @!p2 $0x0  }
0x16: {  	s3 =	sld [smem:$0x3FDB];
	s0 =	simm.s32 @p2 $0x1  }
0x17: {  	s4 =	simm.s32 $0x1BF5;
	[smem:$0x3FBB] =	sst s0  }
0x18: {  	s0 =	sld [smem:$0x3F9E];
	_ =	swait.ge [sflag:s4], $0x0  }
0x19: {  	s7 =	sld [smem:$0x3F9F]  }
0x1a: {  	s8 =	sadd.s32 $0xFFFFE003, lr  }
0x1b: {  	s9 =	sadd.s32 $0xFFFFFEF7, lr;
	s5 =	simm.s32 $0xFFFFFFFF;
	p2 =	slt.u32 s8, $0xFFFFF086  }
0x1c: {  	p1 =	slt.u32 s9, $0xF7A;
	s5 =	simm.s32 @!p2 $0x0  }
0x1d: {  	s5 =	simm.s32 @p1 $0x1;
	p0 =	seq.s32 s7, s2  }
0x1e: {  	s7 =	smul.u32 @!p0 $0xF7A, s2;
	p2 =	seq.s32 @!p0 s5, $0x0  }
0x1f: {  	s9 =	smul.u32 $0xF7A, s1;
	s8 =	simm.s32 @!p0 $0x1BF5;
	p2 =	por !p2, p0  }
0x20: {  	[sflag:s8] =	ssyncset.s32 @!p0 $0xFFFFF086;
	s6 =	sadd.s32 @!p0 s3, s7;
	s7 =	simm.s32 @!p0 $0x108  }
0x21: {  	s3 =	sadd.s32 s3, s9;
	s6 =	sadd.s32 @!p0 $0x88, s6;
	s7 =	simm.s32 @p2 $0x1082  }
0x22: {  	[simem:s7], [sflag:s8] =	dma.local @!p0 [hbm:s6], $0xF7A  }
0x23: {  	s9 =	sor.u32 $0xD0000000, s2;
	s6 =	simm.s32 $0x108;
	_ =	swait.ge @!p0 [sflag:s8], $0x0  }
0x24: {  	s3 =	sadd.s32 $0x88, s3;
	s6 =	simm.s32 @!p1 $0x1082;
	[sflag:s4] =	ssyncset.s32 $0xFFFFF086  }
0x25: {  	[simem:s6], [sflag:s4] =	dma.local [hbm:s3], $0xF7A  }
0x26: {  	[smem:$0x3F9F] =	sst s1;
	(tag) =	ssettag s2;
	_ =	strace s9  }
0x27: {  	s1 =	sld [smem:$0x3FAF]  }
0x28: {  	s2 =	sld [smem:$0x3FB0]  }
0x29: {  	s4 =	sld [smem:$0x3FB2]  }
0x2a: {  	p0 =	seq.s32 s5, $0x0;
	s5 =	sld [smem:$0x3FB3]  }
0x2b: {  	s6 =	sld [smem:$0x3FB4]  }
0x2c: {  	s7 =	sld [smem:$0x3FB5]  }
0x2d: {  	s3 =	simm.s32 $0x108;
	s8 =	sld [smem:$0x3FB6]  }
0x2e: {  	s3 =	simm.s32 @!p0 $0x1082;
	s9 =	sld [smem:$0x3FB7]  }
0x2f: {  	lr =	sadd.s32 s0, s3;
	s0 =	sld [smem:$0x3FAE]  }
0x30: {  	s3 =	sld [smem:$0x3FB1]  }
0x31: {  	[smem:$0x3FBA] =	sst s10  }
0x32: {  	s10 =	sld [smem:$0x3FB8];
	_ =	sdelay $0x3  }
0x33: {  	p0 =	seq.s32 s10, $0x1;
	s10 =	sld [smem:$0x3FBA];
	_ =	sdelay $0x3  }
0x34: {  	[smem:$0x3FBA] =	sst s10  }
0x35: {  	s10 =	sld [smem:$0x3FB9];
	_ =	sdelay $0x3  }
0x36: {  	p1 =	seq.s32 s10, $0x1;
	s10 =	sld [smem:$0x3FBA];
	_ =	sdelay $0x3  }
0x37: {  	[smem:$0x3FBA] =	sst s10  }
0x38: {  	s10 =	sld [smem:$0x3FBB]  }
0x39: {  	_ = 	snop;
	(pc) =	sbr.ind lr, $3  }
0x3a: {  	_ = 	snop  }
0x3b: {  	_ = 	snop  }
0x3c: {  	p2 =	seq.s32 s10, $0x1;
	s10 =	sld [smem:$0x3FBA]  }
0x3d: {  	_ =	shalt  }
0x3e: {  	_ =	shalt  }
0x3f: {  	_ =	shalt  }
0x40: {  	_ =	shalt  }
0x41: {  	_ =	shalt  }
0x42: {  	_ =	shalt  }
0x43: {  	_ =	shalt  }
0x44: {  	_ =	shalt  }
0x45: {  	_ =	shalt  }
0x46: {  	_ =	shalt  }
0x47: {  	_ =	shalt  }
0x48: {  	_ =	shalt  }
0x49: {  	_ =	shalt  }
0x4a: {  	_ =	shalt  }
0x4b: {  	_ =	shalt  }
0x4c: {  	_ =	shalt  }
0x4d: {  	_ =	shalt  }
0x4e: {  	_ =	shalt  }
0x4f: {  	_ =	shalt  }
0x50: {  	_ =	shalt  }
0x51: {  	_ =	shalt  }
0x52: {  	_ =	shalt  }
0x53: {  	_ =	shalt  }
0x54: {  	_ =	shalt  }
0x55: {  	_ =	shalt  }
0x56: {  	_ =	shalt  }
0x57: {  	_ =	shalt  }
0x58: {  	_ =	shalt  }
0x59: {  	_ =	shalt  }
0x5a: {  	_ =	shalt  }
0x5b: {  	_ =	shalt  }
0x5c: {  	_ =	shalt  }
0x5d: {  	_ =	shalt  }
0x5e: {  	_ =	shalt  }
0x5f: {  	_ =	shalt  }
0x60: {  	_ =	shalt  }
0x61: {  	_ =	shalt  }
0x62: {  	_ =	shalt  }
0x63: {  	_ =	shalt  }
0x64: {  	_ =	shalt  }
0x65: {  	_ =	shalt  }
0x66: {  	_ =	shalt  }
0x67: {  	_ =	shalt  }
0x68: {  	_ =	shalt  }
0x69: {  	_ =	shalt  }
0x6a: {  	_ =	shalt  }
0x6b: {  	_ =	shalt  }
0x6c: {  	_ =	shalt  }
0x6d: {  	_ =	shalt  }
0x6e: {  	_ =	shalt  }
0x6f: {  	_ =	shalt  }
0x70: {  	_ =	shalt  }
0x71: {  	_ =	shalt  }
0x72: {  	_ =	shalt  }
0x73: {  	_ =	shalt  }
0x74: {  	_ =	shalt  }
0x75: {  	_ =	shalt  }
0x76: {  	_ =	shalt  }
0x77: {  	_ =	shalt  }
0x78: {  	_ =	shalt  }
0x79: {  	_ =	shalt  }
0x7a: {  	_ =	shalt  }
0x7b: {  	_ =	shalt  }
0x7c: {  	_ =	shalt  }
0x7d: {  	_ =	shalt  }
0x7e: {  	_ =	shalt  }
0x7f: {  	_ =	shalt  }
0x80: {  	_ =	shalt  }
0x81: {  	_ =	shalt  }
0x82: {  	_ =	shalt  }
0x83: {  	_ =	shalt  }
0x84: {  	_ =	shalt  }
0x85: {  	_ =	shalt  }
0x86: {  	_ =	shalt  }
0x87: {  	_ =	shalt  }
.Lfunc_end0:
.L_simem_size_0:
called_computation_lowered:
.L_overlay_start_0:
0x88: {  	s2 =	sld [smem:$0x3FD9]  }
0x89: {  	s3 =	sld [smem:$0x3FFE];
	_ =	sdelay $0x1  }
0x8a: {  	s1 =	srdreg.scid  }
0x8b: {  	s0 =	sand.u32 $0x1, s1  }
0x8c: {  	s14 =	sshll.u32 s0, $0xA;
	s2 =	sadd.s32 s3, s2  }
0x8d: {  	s2 =	sadd.s32 s2, s14  }
0x8e: {  	[smem:$0x3FC6] =	sst s2  }
0x8f: {  	_ = 	snop  }
0x90: {  	s2 =	sld [smem:$0x3FD0];
	_ =	sdelay $0x2  }
0x91: {  	s4 =	simm.s32 $0xA;
	s5 =	simm.s32 $0x10;
	s15 =	sld [smem:$0x3FC8]  }
0x92: {  	[smem:s5], [sflag:s4] =	dma.local [hbm:s2], $0x1  }
0x93: {  	_ =	swait.eq [sflag:s4], $0x1  }
0x94: {  	[sflag:s4] =	ssyncset.done $0x0  }
0x95: {  	[sflag:s4] =	ssyncadd.s32 $0xFFFFFFFF  }
0x96: {  	s16 =	sld [smem:$0x10];
	(tm) =	ssettm $0x1  }
0x97: {  	s17 =	sld [smem:$0x3FFB];
	_ =	sdelay $0x3  }
0x98: {  	_ =	strace s17  }
0x99: {  	s4 =	sld [smem:$0x3FFC];
	_ =	sdelay $0x3  }
0x9a: {  	_ =	strace s4  }
0x9b: {  	s4 =	sld [smem:$0x3FFD];
	_ =	sdelay $0x3  }
0x9c: {  	_ =	strace s4  }
0x9d: {  	_ =	strace $0x8FFFFFFF  }
0x9e: {  	s18 =	sld [smem:$0x3FDB];
	_ =	sdelay $0x1  }
0x9f: {  	s19 =	simm.s32 $_scs_section_size  }
0xa0: {  	s6 =	simm.s32 $_size__tile_overlayer_lowered;
	s7 =	simm.s32 $_tile_overlayer_lowered  }
0xa1: {  	s22 =	simm.s32 $0x1BFF;
	s21 =	sshll.u32 s7, $0x1;
	s4 =	sadd.s32 s19, s18  }
0xa2: {  	s8 =	simm.s32 $0x0;
	s20 =	sshll.u32 s6, $0x1;
	s6 =	sadd.s32 s21, s4  }
0xa3: {  	[timem:s8], [sflag:s22] =	dma.local [hbm:s6], s20  }
0xa4: {  	_ =	swait.ge [sflag:s22], s20  }
0xa5: {  	s5 =	ssub.s32 $0x0, s20;
	[sflag:s22] =	ssyncset.done $0x0  }
0xa6: {  	[sflag:s22] =	ssyncadd.s32 s5;
	_ =	sdelay $0x1  }
0xa7: {  	s23 =	simm.s32 $0x1B8B  }
0xa8: {  	_ =	swait.ge [sflag:s23], $0x1  }
0xa9: {  	[sflag:s23] =	ssyncset.done $0x0  }
0xaa: {  	s25 =	simm.s32 $0x1B8E;
	s24 =	sld [smem:$0x3FFE];
	[sflag:s23] =	ssyncadd.s32 $0xFFFFFFFF  }
0xab: {  	s26 =	simm.s32 $execute0_lowered;
	[smem:$0x3FD2] =	sst s25  }
0xac: {  	s6 =	sshll.u32 s26, $0x1;
	_ =	strace $0x80000046;
	[dreg:$0x1] =	wrdreg $0xFFFFFFFF  }
0xad: {  	s28 =	simm.s32 $_size_execute0_lowered;
	s4 =	sadd.s32 s4, s6;
	[dreg:$0x0] =	wrdreg $0x0  }
0xae: {  	s6 =	sshll.u32 s28, $0x1;
	[dreg:$0x2] =	wrdreg s4  }
0xaf: {  	[dreg:$0x3] =	wrdreg s6  }
0xb0: {  	[dreg:$0x4] =	wrdreg $0xC0  }
0xb1: {  	_ =	task [dreg:s8], $0x5FFFF  }
0xb2: {  	[dreg:$0x1] =	wrdreg $0xFFFFFFFF  }
0xb3: {  	[dreg:$0x0] =	wrdreg $0x60  }
0xb4: {  	[dreg:$0x2] =	wrdreg s24  }
0xb5: {  	[dreg:$0x3] =	wrdreg s15  }
0xb6: {  	[dreg:$0x4] =	wrdreg s16  }
0xb7: {  	[dreg:$0x5] =	wrdreg $0x9  }
0xb8: {  	_ =	task.clear_ibuf [dreg:s8], $0x6FFFF;
	_ =	strace $0x90000046  }
0xb9: {  	s29 =	simm.s32 $0x9;
	_ =	strace $0x80000048  }
0xba: {  	_ =	swait.ge [sflag:s29], $0x1  }
0xbb: {  	[sflag:s29] =	ssyncadd.s32 $0xFFFFFFFF  }
0xbc: {  	_ =	strace $0x90000048  }
0xbd: {  	_ =	sfence  }
0xbe: {  	s30 =	sld [smem:$0x0];
	_ =	sdelay $0x2  }
0xbf: {  	s31 =	sshll.u32 s1, $0xD;
	s1 =	sshrl.u32 s1, $0x2  }
0xc0: {  	s3 =	sand.u32 $0x4000, s31;
	s1 =	sadd.s32 s1, s30  }
0xc1: {  	s0 =	sor.u32 s3, s0;
	s1 =	sshll.u32 s1, $0x11  }
0xc2: {  	s0 =	sor.u32 s1, s0  }
0xc3: {  	s0 =	sadd.s32 $0x8F2B, s0  }
0xc4: {  	[sflag:s0] =	ssyncadd.remote.s32 $0x1  }
0xc5: {  	_ =	sfence.sel $0xFFFF  }
0xc6: {  	[dreg:$0x0] =	wrdreg $0xFFFFFFFF;
	(pc) =	sbr.abs _section_cstart, $3  }
0xc7: {  	[dreg:$0x1] =	wrdreg $0xFFFFFFFF  }
0xc8: {  	_ =	task.clear_ibuf [dreg:s8], $0x2FFFF;
	_ =	strace $0x9FFFFFFF  }
0xc9: {  	(tm) =	ssettm $0x7FFFFFFF  }
tec
execute0_lowered:
.L_overlay_start_1:
0x0: {  	(tag) =	ssettag $0x1  }
0x1: {  	s0 =	rddreg [dreg:$0x0]  }
0x2: {  	s2 =	rddreg [dreg:$0x1];
	s1 =	srdreg.scid  }
0x3: {  	s10 =	stileid.u32;
	s6 =	rddreg [dreg:$0x2];
	s3 =	simm.s32 $0x0  }
0x4: {  	s11 =	simm.s32 $0x7;
	s12 =	simm.s32 $0x80;
	s13 =	simm.s32 $0x6400  }
0x5: {  	s14 =	simm.s32 $0xA400;
	s16 =	simm.s32 $0xE400;
	s18 =	simm.s32 $0x12400  }
0x6: {  	s20 =	simm.s32 $0x16400;
	s21 =	simm.s32 $0x280;
	s28 =	simm.s32 $0x5  }
0x7: {  	s1 =	sand.u32 $0x1, s1;
	s4 =	sshll.u32 s10, $0x1;
	s24 =	smul.u32 $0xC8000, s10  }
0x8: {  	s4 =	sor.u32 s1, s4;
	s7 =	ssub.s32 $0x2, s1;
	s1 =	smul.u32 $0x64000, s1  }
0x9: {  	s29 =	simm.s32 $0x6;
	s30 =	simm.s32 $0x6300;
	s5 =	smul.u32 $0x6400, s4  }
0xa: {  	s31 =	simm.s32 $0x6380;
	[smem:$0x7FF] =	sst s3;
	s8 =	smul.u32 $0x320000, s4  }
0xb: {  	_ =	strace $0x80000047;
	s22 =	sshrl.u32 s7, $0x1;
	s9 =	smul.u32 $0x64000, s4  }
0xc: {  	s7 =	ssub.s32 s7, s22;
	s22 =	simm.s32 $0x1A400;
	s5 =	sshrl.u32 s5, $0x3  }
0xd: {  	s23 =	sshrl.u32 s8, $0x3;
	s26 =	sadd.s32 s6, s9;
	s8 =	sadd.s32 s24, s6  }
0xe: {  	s24 =	simm.s32 $0x2;
	s0 =	sadd.s32 s5, s0;
	s25 =	sadd.s32 s6, s23  }
0xf: {  	s6 =	smax.u32 s7, $0x1;
	s7 =	sadd.s32 $0x60000, s26;
	s1 =	sadd.s32 s1, s8  }
0x10: {  	s8 =	sadd.s32 $0x61000, s26;
	s9 =	sadd.s32 $0x62000, s26;
	s23 =	simm.s32 $0x1  }
0x11: {  	s26 =	simm.s32 $0x4;
	s4 =	sadd.s32 $0x20800, s0;
	s5 =	sadd.s32 $0x63000, s25  }
0x12: {  	s10 =	sadd.s32 $0x2000, s1;
	s25 =	simm.s32 $0x3;
	s1 =	simm.s32 $0x0  }
.LBB2_1:
0x13: {  	[tilespmem:s3], [sflag:$0x7] =	stream.linear.gather [hbm4b:s4+s3], $0x6400, $0x38;
	[tilespmem:$0x1E400] =	vst v63  }
0x14: {  	_ =	swait.ge [sflag:s11], $0x6400  }
0x15: {  	[sflag:s11] =	ssyncset.done $0x0  }
0x16: {  	[sflag:s11] =	ssyncadd.s32 $0xFFFF9C00  }
0x17: {  	[tilespmem:s13], [sflag:$0x1] =	stream.indirect.gather [hbm4b:s2+s12], $0x80, s3, s12, $0xb8;
	[tilespmem:$0x1E400] =	vst v63  }
0x18: {  	_ = 	snop  }
0x19: {  	[tilespmem:s14], [sflag:$0x1] =	stream.indirect.gather [hbm4b:s2+s12], $0x80, s12, s12, $0xb8;
	[tilespmem:$0x1E400] =	vst v63  }
0x1a: {  	s0 =	simm.s32 $0x100  }
0x1b: {  	[tilespmem:s16], [sflag:$0x2] =	stream.indirect.gather [hbm4b:s2+s12], $0x80, s0, s12, $0xb8;
	[tilespmem:$0x1E400] =	vst v63  }
0x1c: {  	s15 =	simm.s32 $0x180  }
0x1d: {  	[tilespmem:s18], [sflag:$0x2] =	stream.indirect.gather [hbm4b:s2+s12], $0x80, s15, s12, $0xb8;
	[tilespmem:$0x1E400] =	vst v63  }
0x1e: {  	s17 =	simm.s32 $0x200  }
0x1f: {  	[tilespmem:s20], [sflag:$0x3] =	stream.indirect.gather [hbm4b:s2+s12], $0x80, s17, s12, $0xb8;
	[tilespmem:$0x1E400] =	vst v63  }
0x20: {  	_ = 	snop  }
0x21: {  	[tilespmem:s22], [sflag:$0x3] =	stream.indirect.gather [hbm4b:s2+s12], $0x80, s21, s12, $0xb8;
	[tilespmem:$0x1E400] =	vst v63  }
0x22: {  	_ =	swait.ge [sflag:s23], $0x4000  }
0x23: {  	[sflag:s23] =	ssyncset.done $0x0  }
0x24: {  	[sflag:s23] =	ssyncadd.s32 $0xFFFFC000  }
0x25: {  	_ =	swait.ge [sflag:s23], $0x4000  }
0x26: {  	[sflag:s23] =	ssyncset.done $0x0  }
0x27: {  	s19 =	sadd.s32 $0xFFFFE000, s10;
	[sflag:s23] =	ssyncadd.s32 $0xFFFFC000  }
0x28: {  	[hbm4b:s19+s3] =	stream.linear.scatter [tilespmem:s13], [sflag:$0x4], $0x8000, $0x38;
	[tilespmem:$0x1E400] =	vst v63  }
0x29: {  	_ =	swait.ge [sflag:s24], $0x4000  }
0x2a: {  	[sflag:s24] =	ssyncset.done $0x0  }
0x2b: {  	[sflag:s24] =	ssyncadd.s32 $0xFFFFC000  }
0x2c: {  	_ =	swait.ge [sflag:s24], $0x4000  }
0x2d: {  	[sflag:s24] =	ssyncset.done $0x0  }
0x2e: {  	s15 =	sadd.s32 $0xFFFFF000, s10;
	[sflag:s24] =	ssyncadd.s32 $0xFFFFC000  }
0x2f: {  	[hbm4b:s15+s3] =	stream.linear.scatter [tilespmem:s16], [sflag:$0x5], $0x8000, $0x38;
	[tilespmem:$0x1E400] =	vst v63  }
0x30: {  	_ =	swait.ge [sflag:s25], $0x4000  }
0x31: {  	[sflag:s25] =	ssyncset.done $0x0  }
0x32: {  	[sflag:s25] =	ssyncadd.s32 $0xFFFFC000  }
0x33: {  	_ =	swait.ge [sflag:s25], $0x4000  }
0x34: {  	[sflag:s25] =	ssyncset.done $0x0  }
0x35: {  	[sflag:s25] =	ssyncadd.s32 $0xFFFFC000  }
0x36: {  	[hbm4b:s10+s3] =	stream.linear.scatter [tilespmem:s20], [sflag:$0x6], $0x8000, $0x38;
	[tilespmem:$0x1E400] =	vst v63  }
0x37: {  	_ =	swait.ge [sflag:s26], $0x8000  }
0x38: {  	[sflag:s26] =	ssyncset.done $0x0  }
0x39: {  	s17 =	simm.s32 $0x300;
	[sflag:s26] =	ssyncadd.s32 $0xFFFF8000  }
0x3a: {  	[tilespmem:s13], [sflag:$0x1] =	stream.indirect.gather [hbm4b:s2+s12], $0x80, s17, s12, $0xb8;
	[tilespmem:$0x1E400] =	vst v63  }
0x3b: {  	s19 =	simm.s32 $0x380  }
0x3c: {  	[tilespmem:s14], [sflag:$0x1] =	stream.indirect.gather [hbm4b:s2+s12], $0x80, s19, s12, $0xb8;
	[tilespmem:$0x1E400] =	vst v63  }
0x3d: {  	_ =	swait.ge [sflag:s28], $0x8000  }
0x3e: {  	[sflag:s28] =	ssyncset.done $0x0  }
0x3f: {  	s15 =	simm.s32 $0x400;
	[sflag:s28] =	ssyncadd.s32 $0xFFFF8000  }
0x40: {  	[tilespmem:s16], [sflag:$0x2] =	stream.indirect.gather [hbm4b:s2+s12], $0x80, s15, s12, $0xb8;
	[tilespmem:$0x1E400] =	vst v63  }
0x41: {  	s17 =	simm.s32 $0x480  }
0x42: {  	[tilespmem:s18], [sflag:$0x2] =	stream.indirect.gather [hbm4b:s2+s12], $0x80, s17, s12, $0xb8;
	[tilespmem:$0x1E400] =	vst v63  }
0x43: {  	_ =	swait.ge [sflag:s29], $0x8000  }
0x44: {  	s0 =	simm.s32 $0xC00;
	s19 =	simm.s32 $0x500;
	[sflag:s29] =	ssyncset.done $0x0  }
0x45: {  	s15 =	sadd.s32 $0x3000, s10;
	s17 =	simm.s32 $0x580;
	[sflag:s29] =	ssyncadd.s32 $0xFFFF8000  }
0x46: {  	[tilespmem:s20], [sflag:$0x3] =	stream.indirect.gather [hbm4b:s2+s12], $0x80, s19, s12, $0xb8;
	[tilespmem:$0x1E400] =	vst v63  }
.LBB2_2:
0x47: {  	[tilespmem:s22], [sflag:$0x3] =	stream.indirect.gather [hbm4b:s2+s12], $0x80, s17, s12, $0xb8;
	[tilespmem:$0x1E400] =	vst v63  }
0x48: {  	s17 =	smov.u32 s0  }
0x49: {  	p0 =	sne.s32 s0, $0x17400;
	s0 =	sadd.s32 $0xC00, s0;
	_ =	swait.ge [sflag:s23], $0x4000  }
0x4a: {  	[sflag:s23] =	ssyncset.done $0x0  }
0x4b: {  	[sflag:s23] =	ssyncadd.s32 $0xFFFFC000  }
0x4c: {  	_ =	swait.ge [sflag:s23], $0x4000  }
0x4d: {  	[sflag:s23] =	ssyncset.done $0x0  }
0x4e: {  	s19 =	sadd.s32 $0xFFFFE000, s15;
	[sflag:s23] =	ssyncadd.s32 $0xFFFFC000  }
0x4f: {  	[hbm4b:s19+s3] =	stream.linear.scatter [tilespmem:s13], [sflag:$0x4], $0x8000, $0x38;
	[tilespmem:$0x1E400] =	vst v63  }
0x50: {  	_ =	swait.ge [sflag:s24], $0x4000  }
0x51: {  	[sflag:s24] =	ssyncset.done $0x0  }
0x52: {  	[sflag:s24] =	ssyncadd.s32 $0xFFFFC000  }
0x53: {  	_ =	swait.ge [sflag:s24], $0x4000  }
0x54: {  	[sflag:s24] =	ssyncset.done $0x0  }
0x55: {  	s19 =	sadd.s32 $0xFFFFF000, s15;
	[sflag:s24] =	ssyncadd.s32 $0xFFFFC000  }
0x56: {  	[hbm4b:s19+s3] =	stream.linear.scatter [tilespmem:s16], [sflag:$0x5], $0x8000, $0x38;
	[tilespmem:$0x1E400] =	vst v63  }
0x57: {  	_ =	swait.ge [sflag:s25], $0x4000  }
0x58: {  	[sflag:s25] =	ssyncset.done $0x0  }
0x59: {  	[sflag:s25] =	ssyncadd.s32 $0xFFFFC000  }
0x5a: {  	_ =	swait.ge [sflag:s25], $0x4000  }
0x5b: {  	[sflag:s25] =	ssyncset.done $0x0  }
0x5c: {  	[sflag:s25] =	ssyncadd.s32 $0xFFFFC000  }
0x5d: {  	[hbm4b:s15+s3] =	stream.linear.scatter [tilespmem:s20], [sflag:$0x6], $0x8000, $0x38;
	[tilespmem:$0x1E400] =	vst v63  }
0x5e: {  	_ =	swait.ge [sflag:s26], $0x8000  }
0x5f: {  	s17 =	sshra.s32 s17, $0x2;
	[sflag:s26] =	ssyncset.done $0x0  }
0x60: {  	s19 =	sadd.s32 $0x300, s17;
	[sflag:s26] =	ssyncadd.s32 $0xFFFF8000  }
0x61: {  	[tilespmem:s13], [sflag:$0x1] =	stream.indirect.gather [hbm4b:s2+s12], $0x80, s19, s12, $0xb8;
	[tilespmem:$0x1E400] =	vst v63  }
0x62: {  	s19 =	sadd.s32 $0x380, s17  }
0x63: {  	[tilespmem:s14], [sflag:$0x1] =	stream.indirect.gather [hbm4b:s2+s12], $0x80, s19, s12, $0xb8;
	[tilespmem:$0x1E400] =	vst v63  }
0x64: {  	_ =	swait.ge [sflag:s28], $0x8000  }
0x65: {  	[sflag:s28] =	ssyncset.done $0x0  }
0x66: {  	s19 =	sadd.s32 $0x400, s17;
	[sflag:s28] =	ssyncadd.s32 $0xFFFF8000  }
0x67: {  	[tilespmem:s16], [sflag:$0x2] =	stream.indirect.gather [hbm4b:s2+s12], $0x80, s19, s12, $0xb8;
	[tilespmem:$0x1E400] =	vst v63  }
0x68: {  	s19 =	sadd.s32 $0x480, s17  }
0x69: {  	[tilespmem:s18], [sflag:$0x2] =	stream.indirect.gather [hbm4b:s2+s12], $0x80, s19, s12, $0xb8;
	[tilespmem:$0x1E400] =	vst v63  }
.Ltmp0:
0x6a: {  	_ =	swait.ge [sflag:s29], $0x8000;
	(pc) =	sbr.rel @p0 .LBB2_2-.Ltmp0, $4  }
0x6b: {  	[sflag:s29] =	ssyncset.done $0x0  }
0x6c: {  	s19 =	sadd.s32 $0x500, s17;
	[sflag:s29] =	ssyncadd.s32 $0xFFFF8000  }
0x6d: {  	[tilespmem:s20], [sflag:$0x3] =	stream.indirect.gather [hbm4b:s2+s12], $0x80, s19, s12, $0xb8;
	[tilespmem:$0x1E400] =	vst v63  }
0x6e: {  	s15 =	sadd.s32 $0x3000, s15;
	s17 =	sadd.s32 $0x580, s17  }
0x6f: {  	[tilespmem:s22], [sflag:$0x3] =	stream.indirect.gather [hbm4b:s2+s12], $0x80, s17, s12, $0xb8;
	[tilespmem:$0x1E400] =	vst v63  }
0x70: {  	_ =	swait.ge [sflag:s23], $0x4000  }
0x71: {  	[sflag:s23] =	ssyncset.done $0x0  }
0x72: {  	[sflag:s23] =	ssyncadd.s32 $0xFFFFC000  }
0x73: {  	_ =	swait.ge [sflag:s23], $0x4000  }
0x74: {  	[sflag:s23] =	ssyncset.done $0x0  }
0x75: {  	[sflag:s23] =	ssyncadd.s32 $0xFFFFC000  }
0x76: {  	[hbm4b:s7+s3] =	stream.linear.scatter [tilespmem:s13], [sflag:$0x4], $0x8000, $0x38;
	[tilespmem:$0x1E400] =	vst v63  }
0x77: {  	_ =	swait.ge [sflag:s24], $0x4000  }
0x78: {  	[sflag:s24] =	ssyncset.done $0x0  }
0x79: {  	[sflag:s24] =	ssyncadd.s32 $0xFFFFC000  }
0x7a: {  	_ =	swait.ge [sflag:s24], $0x4000  }
0x7b: {  	[sflag:s24] =	ssyncset.done $0x0  }
0x7c: {  	[sflag:s24] =	ssyncadd.s32 $0xFFFFC000  }
0x7d: {  	[hbm4b:s8+s3] =	stream.linear.scatter [tilespmem:s16], [sflag:$0x5], $0x8000, $0x38;
	[tilespmem:$0x1E400] =	vst v63  }
0x7e: {  	_ =	swait.ge [sflag:s25], $0x4000  }
0x7f: {  	[sflag:s25] =	ssyncset.done $0x0  }
0x80: {  	[sflag:s25] =	ssyncadd.s32 $0xFFFFC000  }
0x81: {  	_ =	swait.ge [sflag:s25], $0x4000  }
0x82: {  	[sflag:s25] =	ssyncset.done $0x0  }
0x83: {  	[sflag:s25] =	ssyncadd.s32 $0xFFFFC000  }
0x84: {  	[hbm4b:s9+s3] =	stream.linear.scatter [tilespmem:s20], [sflag:$0x6], $0x8000, $0x38;
	[tilespmem:$0x1E400] =	vst v63  }
0x85: {  	_ =	swait.ge [sflag:s26], $0x8000  }
0x86: {  	[sflag:s26] =	ssyncset.done $0x0  }
0x87: {  	[sflag:s26] =	ssyncadd.s32 $0xFFFF8000  }
0x88: {  	[tilespmem:s13], [sflag:$0x1] =	stream.indirect.gather [hbm4b:s2+s12], $0x80, s30, s12, $0xb8;
	[tilespmem:$0x1E400] =	vst v63  }
0x89: {  	_ = 	snop  }
0x8a: {  	[tilespmem:s14], [sflag:$0x1] =	stream.indirect.gather [hbm4b:s2+s12], $0x80, s31, s12, $0xb8;
	[tilespmem:$0x1E400] =	vst v63  }
0x8b: {  	_ =	swait.ge [sflag:s23], $0x4000  }
0x8c: {  	[sflag:s23] =	ssyncset.done $0x0  }
0x8d: {  	[sflag:s23] =	ssyncadd.s32 $0xFFFFC000  }
0x8e: {  	_ =	swait.ge [sflag:s23], $0x4000  }
0x8f: {  	[sflag:s23] =	ssyncset.done $0x0  }
0x90: {  	[sflag:s23] =	ssyncadd.s32 $0xFFFFC000  }
0x91: {  	[hbm4b:s5+s3] =	stream.linear.scatter [tilespmem:s13], [sflag:$0x4], $0x8000, $0x38;
	[tilespmem:$0x1E400] =	vst v63  }
0x92: {  	_ =	swait.ge [sflag:s28], $0x8000  }
0x93: {  	[sflag:s28] =	ssyncset.done $0x0  }
0x94: {  	s1 =	sadd.s32 $0x1, s1;
	[sflag:s28] =	ssyncadd.s32 $0xFFFF8000  }
0x95: {  	p0 =	sne.s32 s1, s6;
	_ =	swait.ge [sflag:s29], $0x8000  }
.Ltmp1:
0x96: {  	[sflag:s29] =	ssyncset.done $0x0;
	(pc) =	sbr.rel @p0 .LBB2_1-.Ltmp1, $4  }
0x97: {  	[sflag:s29] =	ssyncadd.s32 $0xFFFF8000  }
0x98: {  	_ =	swait.ge [sflag:s26], $0x8000  }
0x99: {  	[sflag:s26] =	ssyncset.done $0x0  }
0x9a: {  	[sflag:s26] =	ssyncadd.s32 $0xFFFF8000  }
0x9b: {  	_ =	sfence.sel $0x180000  }
0x9c: {  	[bflag:$0x0] =	sbarrier.arrive $0xFFFF  }
0x9d: {  	_ =	strace $0x90000047  }
0x9e: {  	s0 =	stileid.u32;
	[bflag:$0x2] =	sbarrier.arrive $0xFFFF  }
0x9f: {  	p0 =	sne.s32 s0, $0x0;
	s0 =	rddreg [dreg:$0x3]  }
0xa0: {  	s0 =	sadd.s32 @!p0 $0x100000, s0  }
0xa1: {  	[sflag:s0] =	ssyncadd.tile.s32 @!p0 $0x1;
	_ =	shalt  }
.Lfunc_end2:
_tile_overlayer_lowered:
.L_overlay_start_2:
0xa2: {  	(tag) =	ssettag $0x2  }
0xa3: {  	s0 =	rddreg [dreg:$0x0];
	s2 =	stileid.u32  }
0xa4: {  	s1 =	rddreg [dreg:$0x1];
	p0 =	sne.s32 s2, $0x0  }
0xa5: {  	s3 =	rddreg [dreg:$0x2];
	[bflag:$0x3] =	sbarrier.arrive $0xFFFF;
	s2 =	simm.s32 @!p0 $0x1C07  }
0xa6: {  	[timem:s3], [sflag:s2] =	dma.local @!p0 [hbm:s0], s1  }
0xa7: {  	s0 =	simm.s32 @!p0 $0x7  }
0xa8: {  	_ =	swait.ge @!p0 [sflag:s0], s1  }
0xa9: {  	s1 =	ssub.s32 @!p0 $0x0, s1;
	[sflag:s0] =	ssyncset.done @!p0 $0x0  }
0xaa: {  	[sflag:s0] =	ssyncadd.s32 @!p0 s1  }
0xab: {  	[bflag:$0x3] =	sbarrier.arrive $0xFFFF  }
0xac: {  	_ =	shalt  }

</sc_bundles>
